<compile_context>
chip_gen: v7x
topology: tpu7x:2x2x1
jax: 0.10.2.dev20260603
libtpu: 0.0.44.dev20260713+nightly
codegen_flags: <defaults>
</compile_context>

<pallas_src>
import functools

import jax
import jax.numpy as jnp
from jax import lax
from jax.experimental import pallas as pl
from jax.experimental.pallas import tpu as pltpu
from jax.experimental.pallas import tpu_sc as plsc

RATIO = 16
LANES = 16
NUM_WORKERS = 32
BLK_ROWS = 512


def _build_sc_mask_kernel(rows):
    wpw = rows // NUM_WORKERS
    mesh = plsc.VectorSubcoreMesh(core_axis_name="c", subcore_axis_name="s")

    @functools.partial(
        pl.kernel,
        mesh=mesh,
        out_type=[jax.ShapeDtypeStruct((rows,), jnp.int32)],
        scratch_types=[
            pltpu.VMEM((RATIO * wpw,), jnp.int32),
            pltpu.VMEM((wpw,), jnp.int32),
            pltpu.SemaphoreType.DMA,
        ],
    )
    def sc_mask(mask_hbm, gmask_hbm, mask_v, gout_v, sem_mask):
        wid = lax.axis_index("s") * 2 + lax.axis_index("c")
        base = wid * wpw
        cp = pltpu.async_copy(
            mask_hbm.at[pl.ds(wid * RATIO * wpw, RATIO * wpw)], mask_v,
            sem_mask)
        cp.wait()
        for g in range(wpw // LANES):
            acc = mask_v[pl.ds(g * LANES, LANES)]
            for k in range(1, RATIO):
                acc = jnp.minimum(
                    acc, mask_v[pl.ds(k * wpw + g * LANES, LANES)])
            gout_v[pl.ds(g * LANES, LANES)] = acc
        pltpu.sync_copy(gout_v, gmask_hbm.at[pl.ds(base, wpw)])

    return sc_mask


def _tc_fill(embeds, rows, num_global, hidden):

    def body(emb_ref, out_ref):
        i = pl.program_id(0)
        row = i * BLK_ROWS + lax.broadcasted_iota(
            jnp.int32, (BLK_ROWS, 1), 0)
        is_boundary = (row % num_global) == 0
        out_ref[...] = jnp.where(
            is_boundary, emb_ref[1][None, :], emb_ref[0][None, :])

    return pl.pallas_call(
        body,
        grid=(rows // BLK_ROWS,),
        in_specs=[pl.BlockSpec((8, hidden), lambda i: (0, 0))],
        out_specs=pl.BlockSpec((BLK_ROWS, hidden), lambda i: (i, 0)),
        out_shape=jax.ShapeDtypeStruct((rows, hidden), jnp.float32),
    )(embeds)


def kernel(token_ids, padding_mask, embeds):
    batch, seq_len = token_ids.shape
    hidden = embeds.shape[1]
    num_global = seq_len // RATIO
    rows = batch * num_global
    wpw = rows // NUM_WORKERS
    mask_t = (
        padding_mask.astype(jnp.int32)
        .reshape(NUM_WORKERS, wpw, RATIO)
        .transpose(0, 2, 1)
        .reshape(batch * seq_len)
    )
    (gmask,) = _build_sc_mask_kernel(rows)(mask_t)
    out_flat = _tc_fill(embeds, rows, num_global, hidden)
    out = out_flat.reshape(batch, num_global, hidden)
    gmask = gmask.reshape(batch, num_global).astype(jnp.bool_)
    return out, gmask

# --- scband reference (transcript-rebuilt; emitter-appended) ---
"""Pipeline reference for scband-fixed-ratio-global-block-19224273617238 (READ-ONLY COPY).

The authoritative reference and input builder live on the scoring server;
editing this copy changes nothing except your own understanding.
"""

import jax, jax.numpy as jnp
import numpy as np

VOCAB = 100000
HIDDEN = 1024
RATIO = 16
B = 4
S = 4096

def setup_inputs(seed: int = 0) -> dict:
    key = jax.random.key(seed)
    k1, k2, k3 = jax.random.split(key, 3)
    token_ids = jax.random.randint(k1, (B, S), 0, VOCAB, dtype=jnp.int64 if jax.config.jax_enable_x64 else jnp.int32)
    padding_mask = jax.random.randint(k2, (B, S), 0, 2).astype(jnp.bool_)
    embeds = jax.random.normal(k3, (VOCAB + 1, HIDDEN), dtype=jnp.float32) * 0.02
    return {"token_ids": token_ids, "padding_mask": padding_mask, "embeds": embeds}

def reference(token_ids, padding_mask, embeds):
    batch_size, seq_len = token_ids.shape
    assert seq_len % RATIO == 0
    num_global_tokens = seq_len // RATIO
    global_token_ids = jnp.zeros((batch_size, num_global_tokens), dtype=token_ids.dtype)
    global_token_ids = global_token_ids.at[:, 0].set(1)
    global_padding_mask = None
    if padding_mask is not None:
        Bm, Sl = padding_mask.shape
        global_padding_mask = padding_mask.reshape(Bm, Sl // RATIO, RATIO).all(axis=2)
    out = jnp.take(embeds, global_token_ids, axis=0)
    return (out, global_padding_mask)

if __name__ == "__main__":
    import jax
    _d = setup_inputs()
    print(jax.jit(kernel)(*tuple(_d.values())))

</pallas_src>

<mosaic_0001>
#map = affine_map<(d0, d1) -> (0)>
module attributes {stable_mosaic.version = 14 : i64} {
  func.func @sc_mask(%arg0: i32, %arg1: i32, %arg2: memref<16384xi32, #tpu.memory_space<hbm>>, %arg3: memref<1024xi32, #tpu.memory_space<hbm>>, %arg4: memref<512xi32, #tpu.memory_space<vmem>>, %arg5: memref<32xi32, #tpu.memory_space<vmem>>, %arg6: memref<!tpu.dma_semaphore, #tpu.memory_space<semaphore_mem>>) attributes {dimension_semantics = [#tpu.dimension_semantics<core_parallel>, #tpu.dimension_semantics<subcore_parallel>], iteration_bounds = array<i64: 2, 16>, scalar_prefetch = 0 : i64, scratch_operands = 3 : i64, tpu.core_type = #tpu.core_type<sc_vector_subcore>, window_params = [{transform_indices = #map}, {transform_indices = #map}]} {
    %mul3A = arith.constant 2 : i32
    %mul3A_0 = arith.muli %arg1, %mul3A : i32
    %add3A = arith.addi %mul3A_0, %arg0 : i32
    %mul3A_1 = arith.constant 32 : i32
    %mul3A_2 = arith.muli %add3A, %mul3A_1 : i32
    %mul3A_3 = arith.constant 16 : i32
    %mul3A_4 = arith.muli %add3A, %mul3A_3 : i32
    %mul3A_5 = arith.constant 32 : i32
    %mul3A_6 = arith.muli %mul3A_4, %mul3A_5 : i32
    %dma_start3A = tpu.memref_slice %arg2[%mul3A_6] : memref<16384xi32, #tpu.memory_space<hbm>> -> memref<512xi32, #tpu.memory_space<hbm>>
    %dma_start3A_7 = tpu.memref_slice %arg2[%mul3A_6] : memref<16384xi32, #tpu.memory_space<hbm>> -> memref<512xi32, #tpu.memory_space<hbm>>
    tpu.enqueue_dma source(%dma_start3A_7 : memref<512xi32, #tpu.memory_space<hbm>>) target(%arg4 : memref<512xi32, #tpu.memory_space<vmem>>) target_semaphore(%arg6 : memref<!tpu.dma_semaphore, #tpu.memory_space<semaphore_mem>>)
    %dma_wait3A = tpu.memref_slice %arg2[%mul3A_6] : memref<16384xi32, #tpu.memory_space<hbm>> -> memref<512xi32, #tpu.memory_space<hbm>>
    %dma_wait3A_8 = tpu.memref_slice %arg2[%mul3A_6] : memref<16384xi32, #tpu.memory_space<hbm>> -> memref<512xi32, #tpu.memory_space<hbm>>
    tpu.wait_dma2 semaphore(%arg6 : memref<!tpu.dma_semaphore, #tpu.memory_space<semaphore_mem>>) src(%dma_wait3A_8 : memref<512xi32, #tpu.memory_space<hbm>>) dst(%arg4 : memref<512xi32, #tpu.memory_space<vmem>>)
    %get3A = arith.constant 0 : index
    %get3A_9 = tpu.vector_load %arg4[%get3A] {strides = array<i32>} : memref<512xi32, #tpu.memory_space<vmem>>, vector<16xi32>,
    %get3A_10 = vector.shape_cast %get3A_9 : vector<16xi32> to vector<16xi32>
    %get3A_11 = arith.constant 32 : index
    %get3A_12 = tpu.vector_load %arg4[%get3A_11] {strides = array<i32>} : memref<512xi32, #tpu.memory_space<vmem>>, vector<16xi32>,
    %get3A_13 = vector.shape_cast %get3A_12 : vector<16xi32> to vector<16xi32>
    %min3A = arith.minsi %get3A_10, %get3A_13 : vector<16xi32>
    %get3A_14 = arith.constant 64 : index
    %get3A_15 = tpu.vector_load %arg4[%get3A_14] {strides = array<i32>} : memref<512xi32, #tpu.memory_space<vmem>>, vector<16xi32>,
    %get3A_16 = vector.shape_cast %get3A_15 : vector<16xi32> to vector<16xi32>
    %min3A_17 = arith.minsi %min3A, %get3A_16 : vector<16xi32>
    %get3A_18 = arith.constant 96 : index
    %get3A_19 = tpu.vector_load %arg4[%get3A_18] {strides = array<i32>} : memref<512xi32, #tpu.memory_space<vmem>>, vector<16xi32>,
    %get3A_20 = vector.shape_cast %get3A_19 : vector<16xi32> to vector<16xi32>
    %min3A_21 = arith.minsi %min3A_17, %get3A_20 : vector<16xi32>
    %get3A_22 = arith.constant 128 : index
    %get3A_23 = tpu.vector_load %arg4[%get3A_22] {strides = array<i32>} : memref<512xi32, #tpu.memory_space<vmem>>, vector<16xi32>,
    %get3A_24 = vector.shape_cast %get3A_23 : vector<16xi32> to vector<16xi32>
    %min3A_25 = arith.minsi %min3A_21, %get3A_24 : vector<16xi32>
    %get3A_26 = arith.constant 160 : index
    %get3A_27 = tpu.vector_load %arg4[%get3A_26] {strides = array<i32>} : memref<512xi32, #tpu.memory_space<vmem>>, vector<16xi32>,
    %get3A_28 = vector.shape_cast %get3A_27 : vector<16xi32> to vector<16xi32>
    %min3A_29 = arith.minsi %min3A_25, %get3A_28 : vector<16xi32>
    %get3A_30 = arith.constant 192 : index
    %get3A_31 = tpu.vector_load %arg4[%get3A_30] {strides = array<i32>} : memref<512xi32, #tpu.memory_space<vmem>>, vector<16xi32>,
    %get3A_32 = vector.shape_cast %get3A_31 : vector<16xi32> to vector<16xi32>
    %min3A_33 = arith.minsi %min3A_29, %get3A_32 : vector<16xi32>
    %get3A_34 = arith.constant 224 : index
    %get3A_35 = tpu.vector_load %arg4[%get3A_34] {strides = array<i32>} : memref<512xi32, #tpu.memory_space<vmem>>, vector<16xi32>,
    %get3A_36 = vector.shape_cast %get3A_35 : vector<16xi32> to vector<16xi32>
    %min3A_37 = arith.minsi %min3A_33, %get3A_36 : vector<16xi32>
    %get3A_38 = arith.constant 256 : index
    %get3A_39 = tpu.vector_load %arg4[%get3A_38] {strides = array<i32>} : memref<512xi32, #tpu.memory_space<vmem>>, vector<16xi32>,
    %get3A_40 = vector.shape_cast %get3A_39 : vector<16xi32> to vector<16xi32>
    %min3A_41 = arith.minsi %min3A_37, %get3A_40 : vector<16xi32>
    %get3A_42 = arith.constant 288 : index
    %get3A_43 = tpu.vector_load %arg4[%get3A_42] {strides = array<i32>} : memref<512xi32, #tpu.memory_space<vmem>>, vector<16xi32>,
    %get3A_44 = vector.shape_cast %get3A_43 : vector<16xi32> to vector<16xi32>
    %min3A_45 = arith.minsi %min3A_41, %get3A_44 : vector<16xi32>
    %get3A_46 = arith.constant 320 : index
    %get3A_47 = tpu.vector_load %arg4[%get3A_46] {strides = array<i32>} : memref<512xi32, #tpu.memory_space<vmem>>, vector<16xi32>,
    %get3A_48 = vector.shape_cast %get3A_47 : vector<16xi32> to vector<16xi32>
    %min3A_49 = arith.minsi %min3A_45, %get3A_48 : vector<16xi32>
    %get3A_50 = arith.constant 352 : index
    %get3A_51 = tpu.vector_load %arg4[%get3A_50] {strides = array<i32>} : memref<512xi32, #tpu.memory_space<vmem>>, vector<16xi32>,
    %get3A_52 = vector.shape_cast %get3A_51 : vector<16xi32> to vector<16xi32>
    %min3A_53 = arith.minsi %min3A_49, %get3A_52 : vector<16xi32>
    %get3A_54 = arith.constant 384 : index
    %get3A_55 = tpu.vector_load %arg4[%get3A_54] {strides = array<i32>} : memref<512xi32, #tpu.memory_space<vmem>>, vector<16xi32>,
    %get3A_56 = vector.shape_cast %get3A_55 : vector<16xi32> to vector<16xi32>
    %min3A_57 = arith.minsi %min3A_53, %get3A_56 : vector<16xi32>
    %get3A_58 = arith.constant 416 : index
    %get3A_59 = tpu.vector_load %arg4[%get3A_58] {strides = array<i32>} : memref<512xi32, #tpu.memory_space<vmem>>, vector<16xi32>,
    %get3A_60 = vector.shape_cast %get3A_59 : vector<16xi32> to vector<16xi32>
    %min3A_61 = arith.minsi %min3A_57, %get3A_60 : vector<16xi32>
    %get3A_62 = arith.constant 448 : index
    %get3A_63 = tpu.vector_load %arg4[%get3A_62] {strides = array<i32>} : memref<512xi32, #tpu.memory_space<vmem>>, vector<16xi32>,
    %get3A_64 = vector.shape_cast %get3A_63 : vector<16xi32> to vector<16xi32>
    %min3A_65 = arith.minsi %min3A_61, %get3A_64 : vector<16xi32>
    %get3A_66 = arith.constant 480 : index
    %get3A_67 = tpu.vector_load %arg4[%get3A_66] {strides = array<i32>} : memref<512xi32, #tpu.memory_space<vmem>>, vector<16xi32>,
    %get3A_68 = vector.shape_cast %get3A_67 : vector<16xi32> to vector<16xi32>
    %min3A_69 = arith.minsi %min3A_65, %get3A_68 : vector<16xi32>
    %swap3A = arith.constant 0 : index
    %swap3A_70 = tpu.vector_load %arg5[%swap3A] {strides = array<i32>} : memref<32xi32, #tpu.memory_space<vmem>>, vector<16xi32>,
    %swap3A_71 = vector.shape_cast %swap3A_70 : vector<16xi32> to vector<16xi32>
    %swap3A_72 = vector.shape_cast %min3A_69 : vector<16xi32> to vector<16xi32>
    tpu.vector_store %arg5[%swap3A], %swap3A_72 {strides = array<i32>} : memref<32xi32, #tpu.memory_space<vmem>>, vector<16xi32>,
    %get3A_73 = arith.constant 16 : index
    %get3A_74 = tpu.vector_load %arg4[%get3A_73] {strides = array<i32>} : memref<512xi32, #tpu.memory_space<vmem>>, vector<16xi32>,
    %get3A_75 = vector.shape_cast %get3A_74 : vector<16xi32> to vector<16xi32>
    %get3A_76 = arith.constant 48 : index
    %get3A_77 = tpu.vector_load %arg4[%get3A_76] {strides = array<i32>} : memref<512xi32, #tpu.memory_space<vmem>>, vector<16xi32>,
    %get3A_78 = vector.shape_cast %get3A_77 : vector<16xi32> to vector<16xi32>
    %min3A_79 = arith.minsi %get3A_75, %get3A_78 : vector<16xi32>
    %get3A_80 = arith.constant 80 : index
    %get3A_81 = tpu.vector_load %arg4[%get3A_80] {strides = array<i32>} : memref<512xi32, #tpu.memory_space<vmem>>, vector<16xi32>,
    %get3A_82 = vector.shape_cast %get3A_81 : vector<16xi32> to vector<16xi32>
    %min3A_83 = arith.minsi %min3A_79, %get3A_82 : vector<16xi32>
    %get3A_84 = arith.constant 112 : index
    %get3A_85 = tpu.vector_load %arg4[%get3A_84] {strides = array<i32>} : memref<512xi32, #tpu.memory_space<vmem>>, vector<16xi32>,
    %get3A_86 = vector.shape_cast %get3A_85 : vector<16xi32> to vector<16xi32>
    %min3A_87 = arith.minsi %min3A_83, %get3A_86 : vector<16xi32>
    %get3A_88 = arith.constant 144 : index
    %get3A_89 = tpu.vector_load %arg4[%get3A_88] {strides = array<i32>} : memref<512xi32, #tpu.memory_space<vmem>>, vector<16xi32>,
    %get3A_90 = vector.shape_cast %get3A_89 : vector<16xi32> to vector<16xi32>
    %min3A_91 = arith.minsi %min3A_87, %get3A_90 : vector<16xi32>
    %get3A_92 = arith.constant 176 : index
    %get3A_93 = tpu.vector_load %arg4[%get3A_92] {strides = array<i32>} : memref<512xi32, #tpu.memory_space<vmem>>, vector<16xi32>,
    %get3A_94 = vector.shape_cast %get3A_93 : vector<16xi32> to vector<16xi32>
    %min3A_95 = arith.minsi %min3A_91, %get3A_94 : vector<16xi32>
    %get3A_96 = arith.constant 208 : index
    %get3A_97 = tpu.vector_load %arg4[%get3A_96] {strides = array<i32>} : memref<512xi32, #tpu.memory_space<vmem>>, vector<16xi32>,
    %get3A_98 = vector.shape_cast %get3A_97 : vector<16xi32> to vector<16xi32>
    %min3A_99 = arith.minsi %min3A_95, %get3A_98 : vector<16xi32>
    %get3A_100 = arith.constant 240 : index
    %get3A_101 = tpu.vector_load %arg4[%get3A_100] {strides = array<i32>} : memref<512xi32, #tpu.memory_space<vmem>>, vector<16xi32>,
    %get3A_102 = vector.shape_cast %get3A_101 : vector<16xi32> to vector<16xi32>
    %min3A_103 = arith.minsi %min3A_99, %get3A_102 : vector<16xi32>
    %get3A_104 = arith.constant 272 : index
    %get3A_105 = tpu.vector_load %arg4[%get3A_104] {strides = array<i32>} : memref<512xi32, #tpu.memory_space<vmem>>, vector<16xi32>,
    %get3A_106 = vector.shape_cast %get3A_105 : vector<16xi32> to vector<16xi32>
    %min3A_107 = arith.minsi %min3A_103, %get3A_106 : vector<16xi32>
    %get3A_108 = arith.constant 304 : index
    %get3A_109 = tpu.vector_load %arg4[%get3A_108] {strides = array<i32>} : memref<512xi32, #tpu.memory_space<vmem>>, vector<16xi32>,
    %get3A_110 = vector.shape_cast %get3A_109 : vector<16xi32> to vector<16xi32>
    %min3A_111 = arith.minsi %min3A_107, %get3A_110 : vector<16xi32>
    %get3A_112 = arith.constant 336 : index
    %get3A_113 = tpu.vector_load %arg4[%get3A_112] {strides = array<i32>} : memref<512xi32, #tpu.memory_space<vmem>>, vector<16xi32>,
    %get3A_114 = vector.shape_cast %get3A_113 : vector<16xi32> to vector<16xi32>
    %min3A_115 = arith.minsi %min3A_111, %get3A_114 : vector<16xi32>
    %get3A_116 = arith.constant 368 : index
    %get3A_117 = tpu.vector_load %arg4[%get3A_116] {strides = array<i32>} : memref<512xi32, #tpu.memory_space<vmem>>, vector<16xi32>,
    %get3A_118 = vector.shape_cast %get3A_117 : vector<16xi32> to vector<16xi32>
    %min3A_119 = arith.minsi %min3A_115, %get3A_118 : vector<16xi32>
    %get3A_120 = arith.constant 400 : index
    %get3A_121 = tpu.vector_load %arg4[%get3A_120] {strides = array<i32>} : memref<512xi32, #tpu.memory_space<vmem>>, vector<16xi32>,
    %get3A_122 = vector.shape_cast %get3A_121 : vector<16xi32> to vector<16xi32>
    %min3A_123 = arith.minsi %min3A_119, %get3A_122 : vector<16xi32>
    %get3A_124 = arith.constant 432 : index
    %get3A_125 = tpu.vector_load %arg4[%get3A_124] {strides = array<i32>} : memref<512xi32, #tpu.memory_space<vmem>>, vector<16xi32>,
    %get3A_126 = vector.shape_cast %get3A_125 : vector<16xi32> to vector<16xi32>
    %min3A_127 = arith.minsi %min3A_123, %get3A_126 : vector<16xi32>
    %get3A_128 = arith.constant 464 : index
    %get3A_129 = tpu.vector_load %arg4[%get3A_128] {strides = array<i32>} : memref<512xi32, #tpu.memory_space<vmem>>, vector<16xi32>,
    %get3A_130 = vector.shape_cast %get3A_129 : vector<16xi32> to vector<16xi32>
    %min3A_131 = arith.minsi %min3A_127, %get3A_130 : vector<16xi32>
    %get3A_132 = arith.constant 496 : index
    %get3A_133 = tpu.vector_load %arg4[%get3A_132] {strides = array<i32>} : memref<512xi32, #tpu.memory_space<vmem>>, vector<16xi32>,
    %get3A_134 = vector.shape_cast %get3A_133 : vector<16xi32> to vector<16xi32>
    %min3A_135 = arith.minsi %min3A_131, %get3A_134 : vector<16xi32>
    %swap3A_136 = arith.constant 16 : index
    %swap3A_137 = tpu.vector_load %arg5[%swap3A_136] {strides = array<i32>} : memref<32xi32, #tpu.memory_space<vmem>>, vector<16xi32>,
    %swap3A_138 = vector.shape_cast %swap3A_137 : vector<16xi32> to vector<16xi32>
    %swap3A_139 = vector.shape_cast %min3A_135 : vector<16xi32> to vector<16xi32>
    tpu.vector_store %arg5[%swap3A_136], %swap3A_139 {strides = array<i32>} : memref<32xi32, #tpu.memory_space<vmem>>, vector<16xi32>,
    "tpu.region"() ({
      %run_scoped3A = tpu.sem_alloc : memref<!tpu.dma_semaphore, #tpu.memory_space<semaphore_mem>>
      %dma_start3A_140 = tpu.memref_slice %arg3[%mul3A_2] : memref<1024xi32, #tpu.memory_space<hbm>> -> memref<32xi32, #tpu.memory_space<hbm>>
      %dma_start3A_141 = tpu.memref_slice %arg3[%mul3A_2] : memref<1024xi32, #tpu.memory_space<hbm>> -> memref<32xi32, #tpu.memory_space<hbm>>
      tpu.enqueue_dma source(%arg5 : memref<32xi32, #tpu.memory_space<vmem>>) target(%dma_start3A_141 : memref<32xi32, #tpu.memory_space<hbm>>) target_semaphore(%run_scoped3A : memref<!tpu.dma_semaphore, #tpu.memory_space<semaphore_mem>>)
      %dma_wait3A_142 = tpu.memref_slice %arg3[%mul3A_2] : memref<1024xi32, #tpu.memory_space<hbm>> -> memref<32xi32, #tpu.memory_space<hbm>>
      %dma_wait3A_143 = tpu.memref_slice %arg3[%mul3A_2] : memref<1024xi32, #tpu.memory_space<hbm>> -> memref<32xi32, #tpu.memory_space<hbm>>
      tpu.wait_dma2 semaphore(%run_scoped3A : memref<!tpu.dma_semaphore, #tpu.memory_space<semaphore_mem>>) src(%arg5 : memref<32xi32, #tpu.memory_space<vmem>>) dst(%dma_wait3A_143 : memref<32xi32, #tpu.memory_space<hbm>>)
      tpu.yield
    }) : () -> ()
    return
  }
}

module attributes {stable_mosaic.version = 14 : i64} {
  func.func @body(%arg0: i32, %arg1: memref<8x1024xf32, #tpu.memory_space<vmem>>, %arg2: memref<512x1024xf32, #tpu.memory_space<vmem>>) attributes {dimension_semantics = [#tpu.dimension_semantics<arbitrary>], iteration_bounds = array<i64: 2>, scalar_prefetch = 0 : i64, scratch_operands = 0 : i64, tpu.core_type = #tpu.core_type<tc>, window_params = [{transform_indices = @transform_0, window_bounds = array<i64: 8, 1024>}, {transform_indices = @transform_1, window_bounds = array<i64: 512, 1024>}]} {
    %mul3A = arith.constant 512 : i32
    %mul3A_0 = arith.muli %arg0, %mul3A : i32
    %iota3A = tpu.iota {dimensions = array<i32: 0>} : vector<512x1xi32>
    %add3A = vector.broadcast %mul3A_0 : i32 to vector<512x1xi32>
    %add3A_1 = arith.addi %add3A, %iota3A : vector<512x1xi32>
    %jit3A = arith.constant 256 : i32
    %eq3A = arith.constant 0 : i32
    %eq3A_2 = arith.cmpi eq, %jit3A, %eq3A : i32
    %jit3A_3 = arith.constant 1 : i32
    %select_n3A = arith.select %eq3A_2, %jit3A_3, %jit3A : i32
    %rem3A = vector.broadcast %select_n3A : i32 to vector<512x1xi32>
    %rem3A_4 = arith.remsi %add3A_1, %rem3A : vector<512x1xi32>
    %ne3A = arith.constant 0 : i32
    %ne3A_5 = vector.broadcast %ne3A : i32 to vector<512x1xi32>
    %ne3A_6 = arith.cmpi ne, %rem3A_4, %ne3A_5 : vector<512x1xi32>
    %lt3A = arith.constant 0 : i32
    %lt3A_7 = vector.broadcast %lt3A : i32 to vector<512x1xi32>
    %lt3A_8 = arith.cmpi slt, %rem3A_4, %lt3A_7 : vector<512x1xi32>
    %lt3A_9 = arith.constant 0 : i32
    %lt3A_10 = arith.cmpi slt, %select_n3A, %lt3A_9 : i32
    %ne3A_11 = vector.broadcast %lt3A_10 : i1 to vector<512x1xi1>
    %ne3A_12 = vector.broadcast %ne3A_11 : vector<512x1xi1> to vector<512x1xi1>
    %ne3A_13 = arith.xori %lt3A_8, %ne3A_12 : vector<512x1xi1>
    %and3A = arith.andi %ne3A_13, %ne3A_6 : vector<512x1xi1>
    %add3A_14 = vector.broadcast %select_n3A : i32 to vector<512x1xi32>
    %add3A_15 = arith.addi %rem3A_4, %add3A_14 : vector<512x1xi32>
    %select_n3A_16 = arith.select %and3A, %add3A_15, %rem3A_4 : vector<512x1xi1>, vector<512x1xi32>
    %eq3A_17 = arith.constant 0 : i32
    %eq3A_18 = vector.broadcast %eq3A_17 : i32 to vector<512x1xi32>
    %eq3A_19 = arith.cmpi eq, %select_n3A_16, %eq3A_18 : vector<512x1xi32>
    %get3A = arith.constant 1 : index
    %get3A_20 = arith.constant 0 : index
    %get3A_21 = vector.load %arg1[%get3A, %get3A_20] : memref<8x1024xf32, #tpu.memory_space<vmem>>, vector<1x1024xf32>
    %get3A_22 = vector.shape_cast %get3A_21 : vector<1x1024xf32> to vector<1024xf32>
    %broadcast_in_dim3A = vector.shape_cast %get3A_22 : vector<1024xf32> to vector<1x1024xf32>
    %get3A_23 = arith.constant 0 : index
    %get3A_24 = arith.constant 0 : index
    %get3A_25 = vector.load %arg1[%get3A_23, %get3A_24] : memref<8x1024xf32, #tpu.memory_space<vmem>>, vector<1x1024xf32>
    %get3A_26 = vector.shape_cast %get3A_25 : vector<1x1024xf32> to vector<1024xf32>
    %broadcast_in_dim3A_27 = vector.shape_cast %get3A_26 : vector<1024xf32> to vector<1x1024xf32>
    %broadcast_in_dim3A_28 = vector.shape_cast %eq3A_19 : vector<512x1xi1> to vector<512x1xi1>
    %broadcast_in_dim3A_29 = vector.broadcast %broadcast_in_dim3A_28 : vector<512x1xi1> to vector<512x1024xi1>
    %broadcast_in_dim3A_30 = vector.shape_cast %broadcast_in_dim3A : vector<1x1024xf32> to vector<1x1024xf32>
    %broadcast_in_dim3A_31 = vector.broadcast %broadcast_in_dim3A_30 : vector<1x1024xf32> to vector<512x1024xf32>
    %broadcast_in_dim3A_32 = vector.shape_cast %broadcast_in_dim3A_27 : vector<1x1024xf32> to vector<1x1024xf32>
    %broadcast_in_dim3A_33 = vector.broadcast %broadcast_in_dim3A_32 : vector<1x1024xf32> to vector<512x1024xf32>
    %select_n3A_34 = arith.select %broadcast_in_dim3A_29, %broadcast_in_dim3A_31, %broadcast_in_dim3A_33 : vector<512x1024xi1>, vector<512x1024xf32>
    %swap3A = arith.constant 0 : index
    %swap3A_35 = arith.constant 0 : index
    %swap3A_36 = vector.load %arg2[%swap3A, %swap3A_35] : memref<512x1024xf32, #tpu.memory_space<vmem>>, vector<512x1024xf32>
    tpu.vector_store %arg2[%swap3A, %swap3A_35], %select_n3A_34 {strides = array<i32>} : memref<512x1024xf32, #tpu.memory_space<vmem>>, vector<512x1024xf32>,
    return
  }
  func.func @transform_0(%arg0: i32) -> (i32, i32) {
    %c0_i32 = arith.constant 0 : i32
    %c0_i32_0 = arith.constant 0 : i32
    %c0_i32_1 = arith.constant 0 : i32
    return %c0_i32, %c0_i32_0 : i32, i32
  }
  func.func @transform_1(%arg0: i32) -> (i32, i32) {
    %c0_i32 = arith.constant 0 : i32
    %c0_i32_0 = arith.constant 0 : i32
    return %arg0, %c0_i32 : i32, i32
  }
}

</mosaic_0001>

<sc_bundles>
// kernel: kernel.4.cloned.1.call-start
scs
__scs_entry_jumppad:
0x0: {  	(pc) =	sbr.rel $0x88, $3  }
0x1: {  	(tag) =	ssettag $0x0;
	lr =	simm.s32 $0x1  }
0x2: {  	[smem:$0x3F9F] =	sst lr;
	_ =	strace $0xD0000000  }
0x3: {  	_ = 	snop  }
0x4: {  	_ = 	snop  }
0x5: {  	_ = 	snop  }
0x6: {  	_ = 	snop  }
0x7: {  	_ = 	snop  }
__scs_overlays_trampoline_lowered:
0x8: {  	[smem:$0x3FAE] =	sst s0  }
0x9: {  	[smem:$0x3FAF] =	sst s1  }
0xa: {  	[smem:$0x3FB0] =	sst s2  }
0xb: {  	[smem:$0x3FB1] =	sst s3  }
0xc: {  	[smem:$0x3FB2] =	sst s4  }
0xd: {  	[smem:$0x3FB3] =	sst s5  }
0xe: {  	[smem:$0x3FB4] =	sst s6  }
0xf: {  	[smem:$0x3FB5] =	sst s7  }
0x10: {  	[smem:$0x3FB6] =	sst s8  }
0x11: {  	[smem:$0x3FB7] =	sst s9;
	s0 =	simm.s32 @!p0 $0x0  }
0x12: {  	s1 =	sld [smem:$0x3F9D];
	s0 =	simm.s32 @p0 $0x1  }
0x13: {  	[smem:$0x3FB8] =	sst s0;
	s0 =	simm.s32 @!p1 $0x0  }
0x14: {  	s2 =	sld [smem:$0x3F9C];
	s0 =	simm.s32 @p1 $0x1  }
0x15: {  	[smem:$0x3FB9] =	sst s0;
	s0 =	simm.s32 @!p2 $0x0  }
0x16: {  	s3 =	sld [smem:$0x3FDB];
	s0 =	simm.s32 @p2 $0x1  }
0x17: {  	s4 =	simm.s32 $0x1BF5;
	[smem:$0x3FBB] =	sst s0  }
0x18: {  	s0 =	sld [smem:$0x3F9E];
	_ =	swait.ge [sflag:s4], $0x0  }
0x19: {  	s7 =	sld [smem:$0x3F9F]  }
0x1a: {  	s8 =	sadd.s32 $0xFFFFE003, lr  }
0x1b: {  	s9 =	sadd.s32 $0xFFFFFEF7, lr;
	s5 =	simm.s32 $0xFFFFFFFF;
	p2 =	slt.u32 s8, $0xFFFFF086  }
0x1c: {  	p1 =	slt.u32 s9, $0xF7A;
	s5 =	simm.s32 @!p2 $0x0  }
0x1d: {  	s5 =	simm.s32 @p1 $0x1;
	p0 =	seq.s32 s7, s2  }
0x1e: {  	s7 =	smul.u32 @!p0 $0xF7A, s2;
	p2 =	seq.s32 @!p0 s5, $0x0  }
0x1f: {  	s9 =	smul.u32 $0xF7A, s1;
	s8 =	simm.s32 @!p0 $0x1BF5;
	p2 =	por !p2, p0  }
0x20: {  	[sflag:s8] =	ssyncset.s32 @!p0 $0xFFFFF086;
	s6 =	sadd.s32 @!p0 s3, s7;
	s7 =	simm.s32 @!p0 $0x108  }
0x21: {  	s3 =	sadd.s32 s3, s9;
	s6 =	sadd.s32 @!p0 $0x88, s6;
	s7 =	simm.s32 @p2 $0x1082  }
0x22: {  	[simem:s7], [sflag:s8] =	dma.local @!p0 [hbm:s6], $0xF7A  }
0x23: {  	s9 =	sor.u32 $0xD0000000, s2;
	s6 =	simm.s32 $0x108;
	_ =	swait.ge @!p0 [sflag:s8], $0x0  }
0x24: {  	s3 =	sadd.s32 $0x88, s3;
	s6 =	simm.s32 @!p1 $0x1082;
	[sflag:s4] =	ssyncset.s32 $0xFFFFF086  }
0x25: {  	[simem:s6], [sflag:s4] =	dma.local [hbm:s3], $0xF7A  }
0x26: {  	[smem:$0x3F9F] =	sst s1;
	(tag) =	ssettag s2;
	_ =	strace s9  }
0x27: {  	s1 =	sld [smem:$0x3FAF]  }
0x28: {  	s2 =	sld [smem:$0x3FB0]  }
0x29: {  	s4 =	sld [smem:$0x3FB2]  }
0x2a: {  	p0 =	seq.s32 s5, $0x0;
	s5 =	sld [smem:$0x3FB3]  }
0x2b: {  	s6 =	sld [smem:$0x3FB4]  }
0x2c: {  	s7 =	sld [smem:$0x3FB5]  }
0x2d: {  	s3 =	simm.s32 $0x108;
	s8 =	sld [smem:$0x3FB6]  }
0x2e: {  	s3 =	simm.s32 @!p0 $0x1082;
	s9 =	sld [smem:$0x3FB7]  }
0x2f: {  	lr =	sadd.s32 s0, s3;
	s0 =	sld [smem:$0x3FAE]  }
0x30: {  	s3 =	sld [smem:$0x3FB1]  }
0x31: {  	[smem:$0x3FBA] =	sst s10  }
0x32: {  	s10 =	sld [smem:$0x3FB8];
	_ =	sdelay $0x3  }
0x33: {  	p0 =	seq.s32 s10, $0x1;
	s10 =	sld [smem:$0x3FBA];
	_ =	sdelay $0x3  }
0x34: {  	[smem:$0x3FBA] =	sst s10  }
0x35: {  	s10 =	sld [smem:$0x3FB9];
	_ =	sdelay $0x3  }
0x36: {  	p1 =	seq.s32 s10, $0x1;
	s10 =	sld [smem:$0x3FBA];
	_ =	sdelay $0x3  }
0x37: {  	[smem:$0x3FBA] =	sst s10  }
0x38: {  	s10 =	sld [smem:$0x3FBB]  }
0x39: {  	_ = 	snop;
	(pc) =	sbr.ind lr, $3  }
0x3a: {  	_ = 	snop  }
0x3b: {  	_ = 	snop  }
0x3c: {  	p2 =	seq.s32 s10, $0x1;
	s10 =	sld [smem:$0x3FBA]  }
0x3d: {  	_ =	shalt  }
0x3e: {  	_ =	shalt  }
0x3f: {  	_ =	shalt  }
0x40: {  	_ =	shalt  }
0x41: {  	_ =	shalt  }
0x42: {  	_ =	shalt  }
0x43: {  	_ =	shalt  }
0x44: {  	_ =	shalt  }
0x45: {  	_ =	shalt  }
0x46: {  	_ =	shalt  }
0x47: {  	_ =	shalt  }
0x48: {  	_ =	shalt  }
0x49: {  	_ =	shalt  }
0x4a: {  	_ =	shalt  }
0x4b: {  	_ =	shalt  }
0x4c: {  	_ =	shalt  }
0x4d: {  	_ =	shalt  }
0x4e: {  	_ =	shalt  }
0x4f: {  	_ =	shalt  }
0x50: {  	_ =	shalt  }
0x51: {  	_ =	shalt  }
0x52: {  	_ =	shalt  }
0x53: {  	_ =	shalt  }
0x54: {  	_ =	shalt  }
0x55: {  	_ =	shalt  }
0x56: {  	_ =	shalt  }
0x57: {  	_ =	shalt  }
0x58: {  	_ =	shalt  }
0x59: {  	_ =	shalt  }
0x5a: {  	_ =	shalt  }
0x5b: {  	_ =	shalt  }
0x5c: {  	_ =	shalt  }
0x5d: {  	_ =	shalt  }
0x5e: {  	_ =	shalt  }
0x5f: {  	_ =	shalt  }
0x60: {  	_ =	shalt  }
0x61: {  	_ =	shalt  }
0x62: {  	_ =	shalt  }
0x63: {  	_ =	shalt  }
0x64: {  	_ =	shalt  }
0x65: {  	_ =	shalt  }
0x66: {  	_ =	shalt  }
0x67: {  	_ =	shalt  }
0x68: {  	_ =	shalt  }
0x69: {  	_ =	shalt  }
0x6a: {  	_ =	shalt  }
0x6b: {  	_ =	shalt  }
0x6c: {  	_ =	shalt  }
0x6d: {  	_ =	shalt  }
0x6e: {  	_ =	shalt  }
0x6f: {  	_ =	shalt  }
0x70: {  	_ =	shalt  }
0x71: {  	_ =	shalt  }
0x72: {  	_ =	shalt  }
0x73: {  	_ =	shalt  }
0x74: {  	_ =	shalt  }
0x75: {  	_ =	shalt  }
0x76: {  	_ =	shalt  }
0x77: {  	_ =	shalt  }
0x78: {  	_ =	shalt  }
0x79: {  	_ =	shalt  }
0x7a: {  	_ =	shalt  }
0x7b: {  	_ =	shalt  }
0x7c: {  	_ =	shalt  }
0x7d: {  	_ =	shalt  }
0x7e: {  	_ =	shalt  }
0x7f: {  	_ =	shalt  }
0x80: {  	_ =	shalt  }
0x81: {  	_ =	shalt  }
0x82: {  	_ =	shalt  }
0x83: {  	_ =	shalt  }
0x84: {  	_ =	shalt  }
0x85: {  	_ =	shalt  }
0x86: {  	_ =	shalt  }
0x87: {  	_ =	shalt  }
.Lfunc_end0:
.L_simem_size_0:
called_computation_lowered:
.L_overlay_start_0:
0x88: {  	s2 =	sld [smem:$0x3FD9]  }
0x89: {  	s3 =	sld [smem:$0x3FFE];
	_ =	sdelay $0x1  }
0x8a: {  	s1 =	srdreg.scid  }
0x8b: {  	s0 =	sand.u32 $0x1, s1  }
0x8c: {  	s16 =	sshll.u32 s0, $0xA;
	s2 =	sadd.s32 s3, s2  }
0x8d: {  	s2 =	sadd.s32 s2, s16  }
0x8e: {  	[smem:$0x3FC6] =	sst s2  }
0x8f: {  	_ = 	snop  }
0x90: {  	(tm) =	ssettm $0x1  }
0x91: {  	s17 =	sld [smem:$0x3FFB];
	_ =	sdelay $0x3  }
0x92: {  	_ =	strace s17  }
0x93: {  	s2 =	sld [smem:$0x3FFC];
	_ =	sdelay $0x3  }
0x94: {  	_ =	strace s2  }
0x95: {  	s2 =	sld [smem:$0x3FFD];
	_ =	sdelay $0x3  }
0x96: {  	_ =	strace s2  }
0x97: {  	_ =	strace $0x8FFFFFFF  }
0x98: {  	s18 =	sld [smem:$0x3FDB];
	_ =	sdelay $0x1  }
0x99: {  	s19 =	simm.s32 $_scs_section_size  }
0x9a: {  	s4 =	simm.s32 $_size__tile_overlayer_lowered;
	s5 =	simm.s32 $_tile_overlayer_lowered  }
0x9b: {  	s22 =	simm.s32 $0x1BFF;
	s21 =	sshll.u32 s5, $0x1;
	s2 =	sadd.s32 s19, s18  }
0x9c: {  	s6 =	simm.s32 $0x0;
	s20 =	sshll.u32 s4, $0x1;
	s4 =	sadd.s32 s21, s2  }
0x9d: {  	[timem:s6], [sflag:s22] =	dma.local [hbm:s4], s20  }
0x9e: {  	_ =	swait.ge [sflag:s22], s20  }
0x9f: {  	s3 =	ssub.s32 $0x0, s20;
	[sflag:s22] =	ssyncset.done $0x0  }
0xa0: {  	[sflag:s22] =	ssyncadd.s32 s3;
	_ =	sdelay $0x1  }
0xa1: {  	s23 =	simm.s32 $0x1B8B  }
0xa2: {  	_ =	swait.ge [sflag:s23], $0x1  }
0xa3: {  	[sflag:s23] =	ssyncset.done $0x0  }
0xa4: {  	s25 =	simm.s32 $0x1B8E;
	s24 =	sld [smem:$0x3FFE];
	[sflag:s23] =	ssyncadd.s32 $0xFFFFFFFF  }
0xa5: {  	s26 =	simm.s32 $execute0_lowered;
	[smem:$0x3FD2] =	sst s25  }
0xa6: {  	s4 =	sshll.u32 s26, $0x1;
	_ =	strace $0x80000046;
	[dreg:$0x1] =	wrdreg $0xFFFFFFFF  }
0xa7: {  	s28 =	simm.s32 $_size_execute0_lowered;
	s2 =	sadd.s32 s2, s4;
	[dreg:$0x0] =	wrdreg $0x0  }
0xa8: {  	s4 =	sshll.u32 s28, $0x1;
	[dreg:$0x2] =	wrdreg s2  }
0xa9: {  	[dreg:$0x3] =	wrdreg s4  }
0xaa: {  	[dreg:$0x4] =	wrdreg $0xC0  }
0xab: {  	_ =	task [dreg:s6], $0x5FFFF  }
0xac: {  	[dreg:$0x1] =	wrdreg $0xFFFFFFFF  }
0xad: {  	[dreg:$0x0] =	wrdreg $0x60  }
0xae: {  	[dreg:$0x2] =	wrdreg s24  }
0xaf: {  	[dreg:$0x3] =	wrdreg $0x9  }
0xb0: {  	_ =	task.clear_ibuf [dreg:s6], $0x4FFFF;
	_ =	strace $0x90000046  }
0xb1: {  	s29 =	simm.s32 $0x9;
	_ =	strace $0x80000048  }
0xb2: {  	_ =	swait.ge [sflag:s29], $0x1  }
0xb3: {  	[sflag:s29] =	ssyncadd.s32 $0xFFFFFFFF  }
0xb4: {  	_ =	strace $0x90000048  }
0xb5: {  	_ =	sfence  }
0xb6: {  	s30 =	sld [smem:$0x0];
	_ =	sdelay $0x2  }
0xb7: {  	s31 =	sshll.u32 s1, $0xD;
	s1 =	sshrl.u32 s1, $0x2  }
0xb8: {  	s3 =	sand.u32 $0x4000, s31;
	s1 =	sadd.s32 s1, s30  }
0xb9: {  	s0 =	sor.u32 s3, s0;
	s1 =	sshll.u32 s1, $0x11  }
0xba: {  	s0 =	sor.u32 s1, s0  }
0xbb: {  	s0 =	sadd.s32 $0x8F2B, s0  }
0xbc: {  	[sflag:s0] =	ssyncadd.remote.s32 $0x1  }
0xbd: {  	_ =	sfence.sel $0xFFFF  }
0xbe: {  	[dreg:$0x0] =	wrdreg $0xFFFFFFFF;
	(pc) =	sbr.abs _section_cstart, $3  }
0xbf: {  	[dreg:$0x1] =	wrdreg $0xFFFFFFFF  }
0xc0: {  	_ =	task.clear_ibuf [dreg:s6], $0x2FFFF;
	_ =	strace $0x9FFFFFFF  }
0xc1: {  	(tm) =	ssettm $0x7FFFFFFF  }
tec
execute0_lowered:
.L_overlay_start_1:
0x0: {  	(tag) =	ssettag $0x1  }
0x1: {  	s1 =	srdreg.scid;
	s0 =	stileid.u32  }
0x2: {  	s7 =	sand.u32 $0x1, s1;
	s31 =	sshll.u32 s0, $0x1  }
0x3: {  	s6 =	sor.u32 s7, s31  }
0x4: {  	s5 =	rddreg [dreg:$0x0];
	s2 =	simm.s32 $0x0;
	s3 =	sshll.u32 s6, $0x6  }
0x5: {  	s4 =	simm.s32 $0x1;
	[smem:$0x7FF] =	sst s2;
	s3 =	sadd.s32 s3, s5  }
0x6: {  	s1 =	rddreg [dreg:$0x1];
	_ =	strace $0x80000047;
	s3 =	sadd.s32 $0x400, s3  }
0x7: {  	[tilespmem:s2], [sflag:$0x1] =	stream.linear.gather [hbm4b:s3+s2], $0x200, $0x38;
	[tilespmem:$0x280] =	vst v63  }
0x8: {  	_ =	swait.ge [sflag:s4], $0x200  }
0x9: {  	[sflag:s4] =	ssyncset.done $0x0  }
0xa: {  	[sflag:s4] =	ssyncadd.s32 $0xFFFFFE00  }
0xb: {  	v0 =	vld [tilespmem:$0x30]  }
0xc: {  	v1 =	vld [tilespmem:$0x0]  }
0xd: {  	v2 =	vld [tilespmem:$0x10]  }
0xe: {  	v3 =	vld [tilespmem:$0x20]  }
0xf: {  	v4 =	vld [tilespmem:$0x50]  }
0x10: {  	v5 =	vld [tilespmem:$0x40]  }
0x11: {  	v6 =	vld [tilespmem:$0x70]  }
0x12: {  	v7 =	vld [tilespmem:$0x60];
	vm0 =	vlt.s32 v2, v0  }
0x13: {  	v40 =	vld [tilespmem:$0x90];
	vm1 =	vlt.s32 v1, v3;
	v0 =	vsel vm0, v2, v0  }
0x14: {  	v41 =	vld [tilespmem:$0x80];
	v1 =	vsel vm1, v1, v3;
	vm0 =	vlt.s32 v0, v4  }
0x15: {  	v42 =	vld [tilespmem:$0xB0];
	vm1 =	vlt.s32 v1, v5;
	v0 =	vsel vm0, v0, v4  }
0x16: {  	v43 =	vld [tilespmem:$0xA0];
	v1 =	vsel vm1, v1, v5;
	vm0 =	vlt.s32 v0, v6  }
0x17: {  	v44 =	vld [tilespmem:$0xD0];
	vm1 =	vlt.s32 v1, v7;
	v0 =	vsel vm0, v0, v6  }
0x18: {  	v45 =	vld [tilespmem:$0xC0];
	v1 =	vsel vm1, v1, v7;
	vm0 =	vlt.s32 v0, v40  }
0x19: {  	v46 =	vld [tilespmem:$0xF0];
	vm1 =	vlt.s32 v1, v41;
	v0 =	vsel vm0, v0, v40  }
0x1a: {  	v47 =	vld [tilespmem:$0xE0];
	v1 =	vsel vm1, v1, v41;
	vm0 =	vlt.s32 v0, v42  }
0x1b: {  	v48 =	vld [tilespmem:$0x110];
	vm1 =	vlt.s32 v1, v43;
	v0 =	vsel vm0, v0, v42  }
0x1c: {  	v49 =	vld [tilespmem:$0x100];
	v1 =	vsel vm1, v1, v43;
	vm0 =	vlt.s32 v0, v44  }
0x1d: {  	v50 =	vld [tilespmem:$0x130];
	vm1 =	vlt.s32 v1, v45;
	v0 =	vsel vm0, v0, v44  }
0x1e: {  	v51 =	vld [tilespmem:$0x120];
	v1 =	vsel vm1, v1, v45;
	vm0 =	vlt.s32 v0, v46  }
0x1f: {  	v52 =	vld [tilespmem:$0x150];
	vm1 =	vlt.s32 v1, v47;
	v0 =	vsel vm0, v0, v46  }
0x20: {  	v53 =	vld [tilespmem:$0x140];
	v1 =	vsel vm1, v1, v47;
	vm0 =	vlt.s32 v0, v48  }
0x21: {  	v54 =	vld [tilespmem:$0x170];
	vm1 =	vlt.s32 v1, v49;
	v0 =	vsel vm0, v0, v48  }
0x22: {  	v55 =	vld [tilespmem:$0x160];
	v1 =	vsel vm1, v1, v49;
	vm0 =	vlt.s32 v0, v50  }
0x23: {  	v56 =	vld [tilespmem:$0x190];
	vm1 =	vlt.s32 v1, v51;
	v0 =	vsel vm0, v0, v50  }
0x24: {  	v57 =	vld [tilespmem:$0x180];
	v1 =	vsel vm1, v1, v51;
	vm0 =	vlt.s32 v0, v52  }
0x25: {  	v58 =	vld [tilespmem:$0x1B0];
	vm1 =	vlt.s32 v1, v53;
	v0 =	vsel vm0, v0, v52  }
0x26: {  	v59 =	vld [tilespmem:$0x1A0];
	v1 =	vsel vm1, v1, v53;
	vm0 =	vlt.s32 v0, v54  }
0x27: {  	v60 =	vld [tilespmem:$0x1D0];
	vm1 =	vlt.s32 v1, v55;
	v0 =	vsel vm0, v0, v54  }
0x28: {  	s7 =	ssub.s32 $0x2, s7;
	v61 =	vld [tilespmem:$0x1C0];
	v1 =	vsel vm1, v1, v55;
	vm0 =	vlt.s32 v0, v56  }
0x29: {  	s8 =	sshrl.u32 s7, $0x1;
	v62 =	vld [tilespmem:$0x1F0];
	vm1 =	vlt.s32 v1, v57;
	v0 =	vsel vm0, v0, v56  }
0x2a: {  	s7 =	ssub.s32 s7, s8;
	v63 =	vld [tilespmem:$0x1E0];
	v1 =	vsel vm1, v1, v57;
	vm0 =	vlt.s32 v0, v58  }
0x2b: {  	s8 =	smax.u32 s7, $0x1;
	vm1 =	vlt.s32 v1, v59;
	v0 =	vsel vm0, v0, v58  }
0x2c: {  	p0 =	sne.s32 s8, $0x1;
	v1 =	vsel vm1, v1, v59;
	vm0 =	vlt.s32 v0, v60  }
.Ltmp0:
0x2d: {  	vm1 =	vlt.s32 v1, v61;
	v0 =	vsel vm0, v0, v60;
	(pc) =	sbr.rel @!p0 .LBB2_2-.Ltmp0, $4  }
0x2e: {  	v1 =	vsel vm1, v1, v61;
	vm0 =	vlt.s32 v0, v62  }
0x2f: {  	s6 =	sshll.u32 s6, $0x2;
	vm1 =	vlt.s32 v1, v63;
	v0 =	vsel vm0, v0, v62  }
0x30: {  	s5 =	sadd.s32 s6, s5;
	s6 =	simm.s32 $0x2;
	v1 =	vsel vm1, v1, v63;
	[tilespmem:$0x210] =	vst v0  }
0x31: {  	s5 =	sadd.s32 $0xC00, s5;
	s7 =	simm.s32 $0x200;
	s8 =	sadd.s32 $0xFFFFFFFF, s8;
	[tilespmem:$0x200] =	vst v1  }
.LBB2_1:
0x32: {  	[hbm4b:s5+s2] =	stream.linear.scatter [tilespmem:s7], [sflag:$0x2], $0x20, $0x38;
	[tilespmem:$0x280] =	vst v63  }
0x33: {  	p0 =	sne.s32 s8, $0x1;
	s8 =	sadd.s32 $0xFFFFFFFF, s8;
	_ =	swait.ge [sflag:s6], $0x20  }
0x34: {  	[sflag:s6] =	ssyncset.done $0x0  }
0x35: {  	[sflag:s6] =	ssyncadd.s32 $0xFFFFFFE0  }
0x36: {  	[tilespmem:s2], [sflag:$0x1] =	stream.linear.gather [hbm4b:s3+s2], $0x200, $0x38;
	[tilespmem:$0x280] =	vst v63  }
0x37: {  	_ =	swait.ge [sflag:s4], $0x200  }
0x38: {  	[sflag:s4] =	ssyncset.done $0x0  }
0x39: {  	[sflag:s4] =	ssyncadd.s32 $0xFFFFFE00  }
0x3a: {  	v0 =	vld [tilespmem:$0x30]  }
0x3b: {  	v1 =	vld [tilespmem:$0x0]  }
0x3c: {  	v2 =	vld [tilespmem:$0x10]  }
0x3d: {  	v3 =	vld [tilespmem:$0x20]  }
0x3e: {  	v4 =	vld [tilespmem:$0x50]  }
0x3f: {  	v5 =	vld [tilespmem:$0x40]  }
0x40: {  	v6 =	vld [tilespmem:$0x70]  }
0x41: {  	v7 =	vld [tilespmem:$0x60];
	vm0 =	vlt.s32 v2, v0  }
0x42: {  	vm1 =	vlt.s32 v1, v3;
	v0 =	vsel vm0, v2, v0;
	v2 =	vld [tilespmem:$0x90]  }
0x43: {  	v1 =	vsel vm1, v1, v3;
	v3 =	vld [tilespmem:$0x80];
	vm0 =	vlt.s32 v0, v4  }
0x44: {  	vm1 =	vlt.s32 v1, v5;
	v0 =	vsel vm0, v0, v4;
	v4 =	vld [tilespmem:$0xB0]  }
0x45: {  	v1 =	vsel vm1, v1, v5;
	v5 =	vld [tilespmem:$0xA0];
	vm0 =	vlt.s32 v0, v6  }
0x46: {  	vm1 =	vlt.s32 v1, v7;
	v0 =	vsel vm0, v0, v6;
	v6 =	vld [tilespmem:$0xD0]  }
0x47: {  	v1 =	vsel vm1, v1, v7;
	v7 =	vld [tilespmem:$0xC0];
	vm0 =	vlt.s32 v0, v2  }
0x48: {  	vm1 =	vlt.s32 v1, v3;
	v0 =	vsel vm0, v0, v2;
	v2 =	vld [tilespmem:$0xF0]  }
0x49: {  	v1 =	vsel vm1, v1, v3;
	v3 =	vld [tilespmem:$0xE0];
	vm0 =	vlt.s32 v0, v4  }
0x4a: {  	vm1 =	vlt.s32 v1, v5;
	v0 =	vsel vm0, v0, v4;
	v4 =	vld [tilespmem:$0x110]  }
0x4b: {  	v1 =	vsel vm1, v1, v5;
	v5 =	vld [tilespmem:$0x100];
	vm0 =	vlt.s32 v0, v6  }
0x4c: {  	vm1 =	vlt.s32 v1, v7;
	v0 =	vsel vm0, v0, v6;
	v6 =	vld [tilespmem:$0x130]  }
0x4d: {  	v1 =	vsel vm1, v1, v7;
	v7 =	vld [tilespmem:$0x120];
	vm0 =	vlt.s32 v0, v2  }
0x4e: {  	vm1 =	vlt.s32 v1, v3;
	v0 =	vsel vm0, v0, v2;
	v2 =	vld [tilespmem:$0x150]  }
0x4f: {  	v1 =	vsel vm1, v1, v3;
	v3 =	vld [tilespmem:$0x140];
	vm0 =	vlt.s32 v0, v4  }
0x50: {  	vm1 =	vlt.s32 v1, v5;
	v0 =	vsel vm0, v0, v4;
	v4 =	vld [tilespmem:$0x170]  }
0x51: {  	v1 =	vsel vm1, v1, v5;
	v5 =	vld [tilespmem:$0x160];
	vm0 =	vlt.s32 v0, v6  }
0x52: {  	vm1 =	vlt.s32 v1, v7;
	v0 =	vsel vm0, v0, v6;
	v6 =	vld [tilespmem:$0x190]  }
0x53: {  	v1 =	vsel vm1, v1, v7;
	v7 =	vld [tilespmem:$0x180];
	vm0 =	vlt.s32 v0, v2  }
0x54: {  	vm1 =	vlt.s32 v1, v3;
	v0 =	vsel vm0, v0, v2;
	v2 =	vld [tilespmem:$0x1B0]  }
0x55: {  	v1 =	vsel vm1, v1, v3;
	v3 =	vld [tilespmem:$0x1A0];
	vm0 =	vlt.s32 v0, v4  }
0x56: {  	vm1 =	vlt.s32 v1, v5;
	v0 =	vsel vm0, v0, v4;
	v4 =	vld [tilespmem:$0x1D0]  }
0x57: {  	v1 =	vsel vm1, v1, v5;
	v5 =	vld [tilespmem:$0x1C0];
	vm0 =	vlt.s32 v0, v6  }
0x58: {  	vm1 =	vlt.s32 v1, v7;
	v0 =	vsel vm0, v0, v6;
	v6 =	vld [tilespmem:$0x1F0]  }
0x59: {  	v1 =	vsel vm1, v1, v7;
	v7 =	vld [tilespmem:$0x1E0];
	vm0 =	vlt.s32 v0, v2  }
0x5a: {  	vm1 =	vlt.s32 v1, v3;
	v0 =	vsel vm0, v0, v2  }
0x5b: {  	v1 =	vsel vm1, v1, v3;
	vm0 =	vlt.s32 v0, v4  }
.Ltmp1:
0x5c: {  	vm1 =	vlt.s32 v1, v5;
	v0 =	vsel vm0, v0, v4;
	(pc) =	sbr.rel @p0 .LBB2_1-.Ltmp1, $4  }
0x5d: {  	v1 =	vsel vm1, v1, v5;
	vm0 =	vlt.s32 v0, v6  }
0x5e: {  	vm1 =	vlt.s32 v1, v7;
	v0 =	vsel vm0, v0, v6  }
0x5f: {  	v1 =	vsel vm1, v1, v7;
	[tilespmem:$0x210] =	vst v0  }
0x60: {  	[tilespmem:$0x200] =	vst v1  }
.LBB2_2:
0x61: {  	[hbm4b:s5+s2] =	stream.linear.scatter [tilespmem:s7], [sflag:$0x2], $0x20, $0x38;
	[tilespmem:$0x280] =	vst v63  }
0x62: {  	_ =	swait.ge [sflag:s6], $0x20  }
0x63: {  	[sflag:s6] =	ssyncset.done $0x0  }
0x64: {  	[sflag:s6] =	ssyncadd.s32 $0xFFFFFFE0  }
0x65: {  	_ =	sfence.sel $0x180000  }
0x66: {  	[bflag:$0x0] =	sbarrier.arrive $0xFFFF  }
0x67: {  	p0 =	sne.s32 s0, $0x0;
	_ =	strace $0x90000047  }
0x68: {  	s0 =	sadd.s32 @!p0 $0x100000, s1;
	[bflag:$0x2] =	sbarrier.arrive $0xFFFF  }
0x69: {  	[sflag:s0] =	ssyncadd.tile.s32 @!p0 $0x1;
	_ =	shalt  }
.Lfunc_end2:
_tile_overlayer_lowered:
.L_overlay_start_2:
0x6a: {  	(tag) =	ssettag $0x2  }
0x6b: {  	s0 =	rddreg [dreg:$0x0];
	s2 =	stileid.u32  }
0x6c: {  	s1 =	rddreg [dreg:$0x1];
	p0 =	sne.s32 s2, $0x0  }
0x6d: {  	s3 =	rddreg [dreg:$0x2];
	[bflag:$0x3] =	sbarrier.arrive $0xFFFF;
	s2 =	simm.s32 @!p0 $0x1C02  }
0x6e: {  	[timem:s3], [sflag:s2] =	dma.local @!p0 [hbm:s0], s1  }
0x6f: {  	s0 =	simm.s32 @!p0 $0x2  }
0x70: {  	_ =	swait.ge @!p0 [sflag:s0], s1  }
0x71: {  	s1 =	ssub.s32 @!p0 $0x0, s1;
	[sflag:s0] =	ssyncset.done @!p0 $0x0  }
0x72: {  	[sflag:s0] =	ssyncadd.s32 @!p0 s1  }
0x73: {  	[bflag:$0x3] =	sbarrier.arrive $0xFFFF  }
0x74: {  	_ =	shalt  }

</sc_bundles>
